<compile_context>
chip_gen: v7x
topology: tpu7x:2x2x1
jax: 0.10.2.dev20260603
libtpu: 0.0.44.dev20260713+nightly
codegen_flags: <defaults>
</compile_context>

<pallas_src>
import jax
import jax.numpy as jnp
from jax import lax
from jax.experimental import pallas as pl
from jax.experimental.pallas import tpu as pltpu
from jax.experimental.pallas import tpu_sc as plsc

_D = 4096
_K = 64
_HK = 32
_NB = _D // _K
_NW = 32
_W = _D // _NW
_TR = 256
_WG = _NW * _TR // _D
_L = 16


def _dense_body(th_ref, canvas_ref, vals_ref):
    canvas_ref[:] = jnp.zeros((_TR, _D), jnp.float32)
    th = th_ref[0]
    c = jnp.cos(th)
    s = jnp.sin(th)
    vals_ref[0] = jnp.stack(
        [
            jnp.concatenate([c[0, o : o + _K], s[0, o : o + _K]])
            for o in (0, _K)
        ]
    )


def _sc_scatter_body(vals_hbm, canvas_ref, vbuf, wbuf, sem):
    wid = lax.axis_index("s") * 2 + lax.axis_index("c")
    base = wid * _W
    pltpu.sync_copy(vals_hbm.at[wid >> 1, wid & 1], vbuf)

    def _zero_row(r, carry):
        for k in range(_W // _L):
            wbuf[r, pl.ds(k * _L, _L)] = jnp.zeros((_L,), jnp.float32)
        return carry

    lax.fori_loop(0, _W, _zero_row, 0)

    for t in range(_W // _L):
        o = t * _L + lax.iota(jnp.int32, _L)
        half = (o >> 5) & 1
        l = ((o >> 6) << 5) + (o & (_HK - 1))
        cvals = plsc.load_gather(vbuf, [l])
        plsc.store_scatter(wbuf, [o, o], cvals)
        col = o + _HK - (half << 6)
        sgn = (2 * half - 1).astype(jnp.float32)
        svals = plsc.load_gather(vbuf, [_K + l]) * sgn
        plsc.store_scatter(wbuf, [o, col], svals)

    pltpu.async_copy(
        wbuf, canvas_ref.at[pl.ds(base, _W), pl.ds(base, _W)], sem
    ).wait()


@jax.jit
def kernel(thetas, p_indices, q_indices):
    th3 = thetas.reshape(_NW // _WG, 1, _WG * _K)
    canvas, vals = pl.pallas_call(
        _dense_body,
        grid=(_D // _TR,),
        in_specs=[pl.BlockSpec((1, 1, _WG * _K), lambda i: (i, 0, 0))],
        out_specs=[
            pl.BlockSpec((_TR, _D), lambda i: (i, 0)),
            pl.BlockSpec((1, _WG, _W), lambda i: (i, 0, 0)),
        ],
        out_shape=[
            jax.ShapeDtypeStruct((_D, _D), jnp.float32),
            jax.ShapeDtypeStruct((_NW // _WG, _WG, _W), jnp.float32),
        ],
    )(th3)

    sc_scatter = pl.kernel(
        _sc_scatter_body,
        out_type=(),
        mesh=plsc.VectorSubcoreMesh(core_axis_name="c", subcore_axis_name="s"),
        scratch_types=[
            pltpu.VMEM((_W,), jnp.float32),
            pltpu.VMEM((_W, _W), jnp.float32),
            pltpu.SemaphoreType.DMA,
        ],
        compiler_params=pltpu.CompilerParams(
            use_tc_tiling_on_sc=True, needs_layout_passes=False
        ),
    )
    canvas_ref = jax.new_ref(canvas)
    sc_scatter(vals, canvas_ref)
    return jax.freeze(canvas_ref)

# --- scband reference (transcript-rebuilt; emitter-appended) ---
"""Pipeline reference for scband-butterfly-component-79912161509587 (READ-ONLY COPY).

The authoritative reference and input builder live on the scoring server;
editing this copy changes nothing except your own understanding.
"""

import jax, jax.numpy as jnp
import numpy as np

D = 4096
K = 64


def _indices():
    p, q = [], []
    n_blocks = D // K
    half_k = K // 2
    for b in range(n_blocks):
        base = b * K
        for i in range(half_k):
            p.append(base + i)
            q.append(base + i + half_k)
    return (jnp.asarray(np.array(p, dtype=np.int32)),
            jnp.asarray(np.array(q, dtype=np.int32)))


def setup_inputs(seed: int = 0) -> dict:
    key = jax.random.key(seed)
    n_blocks = D // K
    total_rotations = n_blocks * (K // 2)
    # learned parameter (module initializes to zeros; use small random for a
    # non-trivial rotation while staying faithful to the parameterization)
    thetas = jax.random.normal(key, (total_rotations,), dtype=jnp.float32) * 0.1
    p_indices, q_indices = _indices()
    return {"thetas": thetas, "p_indices": p_indices, "q_indices": q_indices}


def reference(thetas, p_indices, q_indices):
    # Faithful translation of ButterflyComponent.forward():
    # start from identity, scatter cos(theta) onto the diagonal at p and q
    # positions, and +/- sin(theta) onto the off-diagonal (p,q)/(q,p) pairs.
    c = jnp.cos(thetas)
    s = jnp.sin(thetas)
    R = jnp.eye(D, dtype=thetas.dtype)
    R = R.at[p_indices, p_indices].set(c)
    R = R.at[q_indices, q_indices].set(c)
    R = R.at[p_indices, q_indices].set(-s)
    R = R.at[q_indices, p_indices].set(s)
    return R

if __name__ == "__main__":
    import jax
    _d = setup_inputs()
    print(jax.jit(kernel)(*tuple(_d.values())))

</pallas_src>

<mosaic_0001>
#map = affine_map<(d0, d1) -> (0, 0, 0)>
#map1 = affine_map<(d0, d1) -> (0, 0)>
module attributes {stable_mosaic.version = 14 : i64} {
  func.func @new_body(%arg0: i32, %arg1: i32, %arg2: memref<16x2x128xf32, #tpu.memory_space<hbm>>, %arg3: memref<4096x4096xf32, #tpu.memory_space<hbm>>, %arg4: memref<4096x4096xf32, #tpu.memory_space<hbm>>, %arg5: memref<128xf32, #tpu.memory_space<vmem>>, %arg6: memref<128x128xf32, #tpu.memory_space<vmem>>, %arg7: memref<!tpu.dma_semaphore, #tpu.memory_space<semaphore_mem>>) attributes {dimension_semantics = [#tpu.dimension_semantics<core_parallel>, #tpu.dimension_semantics<subcore_parallel>], iteration_bounds = array<i64: 2, 16>, scalar_prefetch = 0 : i64, scratch_operands = 3 : i64, tpu.core_type = #tpu.core_type<sc_vector_subcore>, window_params = [{transform_indices = #map}, {transform_indices = #map1}, {transform_indices = #map1}]} {
    %mul3A = arith.constant 2 : i32
    %mul3A_0 = arith.muli %arg1, %mul3A : i32
    %add3A = arith.addi %mul3A_0, %arg0 : i32
    %mul3A_1 = arith.constant 128 : i32
    %mul3A_2 = arith.muli %add3A, %mul3A_1 : i32
    %shift_right_arithmetic3A = arith.constant 1 : i32
    %shift_right_arithmetic3A_3 = arith.shrsi %add3A, %shift_right_arithmetic3A : i32
    %and3A = arith.constant 1 : i32
    %and3A_4 = arith.andi %add3A, %and3A : i32
    "tpu.region"() ({
      %run_scoped3A = tpu.sem_alloc : memref<!tpu.dma_semaphore, #tpu.memory_space<semaphore_mem>>
      %dma_start3A_327 = arith.constant 0 : i32
      %dma_start3A_328 = tpu.memref_slice %arg2[%shift_right_arithmetic3A_3, %and3A_4, %dma_start3A_327] : memref<16x2x128xf32, #tpu.memory_space<hbm>> -> memref<1x1x128xf32, #tpu.memory_space<hbm>>
      %dma_start3A_329 = tpu.memref_squeeze %dma_start3A_328 : memref<1x1x128xf32, #tpu.memory_space<hbm>> -> memref<128xf32, #tpu.memory_space<hbm>>
      %dma_start3A_330 = arith.constant 0 : i32
      %dma_start3A_331 = tpu.memref_slice %arg2[%shift_right_arithmetic3A_3, %and3A_4, %dma_start3A_330] : memref<16x2x128xf32, #tpu.memory_space<hbm>> -> memref<1x1x128xf32, #tpu.memory_space<hbm>>
      %dma_start3A_332 = tpu.memref_squeeze %dma_start3A_331 : memref<1x1x128xf32, #tpu.memory_space<hbm>> -> memref<128xf32, #tpu.memory_space<hbm>>
      tpu.enqueue_dma source(%dma_start3A_332 : memref<128xf32, #tpu.memory_space<hbm>>) target(%arg5 : memref<128xf32, #tpu.memory_space<vmem>>) target_semaphore(%run_scoped3A : memref<!tpu.dma_semaphore, #tpu.memory_space<semaphore_mem>>)
      %dma_wait3A_333 = arith.constant 0 : i32
      %dma_wait3A_334 = tpu.memref_slice %arg2[%shift_right_arithmetic3A_3, %and3A_4, %dma_wait3A_333] : memref<16x2x128xf32, #tpu.memory_space<hbm>> -> memref<1x1x128xf32, #tpu.memory_space<hbm>>
      %dma_wait3A_335 = tpu.memref_squeeze %dma_wait3A_334 : memref<1x1x128xf32, #tpu.memory_space<hbm>> -> memref<128xf32, #tpu.memory_space<hbm>>
      %dma_wait3A_336 = arith.constant 0 : i32
      %dma_wait3A_337 = tpu.memref_slice %arg2[%shift_right_arithmetic3A_3, %and3A_4, %dma_wait3A_336] : memref<16x2x128xf32, #tpu.memory_space<hbm>> -> memref<1x1x128xf32, #tpu.memory_space<hbm>>
      %dma_wait3A_338 = tpu.memref_squeeze %dma_wait3A_337 : memref<1x1x128xf32, #tpu.memory_space<hbm>> -> memref<128xf32, #tpu.memory_space<hbm>>
      tpu.wait_dma2 semaphore(%run_scoped3A : memref<!tpu.dma_semaphore, #tpu.memory_space<semaphore_mem>>) src(%dma_wait3A_338 : memref<128xf32, #tpu.memory_space<hbm>>) dst(%arg5 : memref<128xf32, #tpu.memory_space<vmem>>)
      tpu.yield
    }) : () -> ()
    %scan3A = arith.constant 0 : i32
    %scan3A_5 = arith.constant 0 : i32
    %scan3A_6 = arith.constant 128 : i32
    %scan3A_7 = arith.addi %scan3A_5, %scan3A_6 : i32
    %scan3A_8 = arith.constant 1 : i32
    scf.for %scan3A_327 = %scan3A_5 to %scan3A_7 step %scan3A_8  : i32 {
      %broadcast_in_dim3A = arith.constant 0.000000e+00 : f32
      %broadcast_in_dim3A_328 = vector.broadcast %broadcast_in_dim3A : f32 to vector<16xf32>
      %swap3A = arith.index_cast %scan3A_327 : i32 to index
      %swap3A_329 = arith.constant 0 : index
      %swap3A_330 = tpu.vector_load %arg6[%swap3A, %swap3A_329] {strides = array<i32>} : memref<128x128xf32, #tpu.memory_space<vmem>>, vector<16xf32>,
      tpu.vector_store %arg6[%swap3A, %swap3A_329], %broadcast_in_dim3A_328 {strides = array<i32>} : memref<128x128xf32, #tpu.memory_space<vmem>>, vector<16xf32>,
      %broadcast_in_dim3A_331 = arith.constant 0.000000e+00 : f32
      %broadcast_in_dim3A_332 = vector.broadcast %broadcast_in_dim3A_331 : f32 to vector<16xf32>
      %swap3A_333 = arith.index_cast %scan3A_327 : i32 to index
      %swap3A_334 = arith.constant 16 : index
      %swap3A_335 = tpu.vector_load %arg6[%swap3A_333, %swap3A_334] {strides = array<i32>} : memref<128x128xf32, #tpu.memory_space<vmem>>, vector<16xf32>,
      tpu.vector_store %arg6[%swap3A_333, %swap3A_334], %broadcast_in_dim3A_332 {strides = array<i32>} : memref<128x128xf32, #tpu.memory_space<vmem>>, vector<16xf32>,
      %broadcast_in_dim3A_336 = arith.constant 0.000000e+00 : f32
      %broadcast_in_dim3A_337 = vector.broadcast %broadcast_in_dim3A_336 : f32 to vector<16xf32>
      %swap3A_338 = arith.index_cast %scan3A_327 : i32 to index
      %swap3A_339 = arith.constant 32 : index
      %swap3A_340 = tpu.vector_load %arg6[%swap3A_338, %swap3A_339] {strides = array<i32>} : memref<128x128xf32, #tpu.memory_space<vmem>>, vector<16xf32>,
      tpu.vector_store %arg6[%swap3A_338, %swap3A_339], %broadcast_in_dim3A_337 {strides = array<i32>} : memref<128x128xf32, #tpu.memory_space<vmem>>, vector<16xf32>,
      %broadcast_in_dim3A_341 = arith.constant 0.000000e+00 : f32
      %broadcast_in_dim3A_342 = vector.broadcast %broadcast_in_dim3A_341 : f32 to vector<16xf32>
      %swap3A_343 = arith.index_cast %scan3A_327 : i32 to index
      %swap3A_344 = arith.constant 48 : index
      %swap3A_345 = tpu.vector_load %arg6[%swap3A_343, %swap3A_344] {strides = array<i32>} : memref<128x128xf32, #tpu.memory_space<vmem>>, vector<16xf32>,
      tpu.vector_store %arg6[%swap3A_343, %swap3A_344], %broadcast_in_dim3A_342 {strides = array<i32>} : memref<128x128xf32, #tpu.memory_space<vmem>>, vector<16xf32>,
      %broadcast_in_dim3A_346 = arith.constant 0.000000e+00 : f32
      %broadcast_in_dim3A_347 = vector.broadcast %broadcast_in_dim3A_346 : f32 to vector<16xf32>
      %swap3A_348 = arith.index_cast %scan3A_327 : i32 to index
      %swap3A_349 = arith.constant 64 : index
      %swap3A_350 = tpu.vector_load %arg6[%swap3A_348, %swap3A_349] {strides = array<i32>} : memref<128x128xf32, #tpu.memory_space<vmem>>, vector<16xf32>,
      tpu.vector_store %arg6[%swap3A_348, %swap3A_349], %broadcast_in_dim3A_347 {strides = array<i32>} : memref<128x128xf32, #tpu.memory_space<vmem>>, vector<16xf32>,
      %broadcast_in_dim3A_351 = arith.constant 0.000000e+00 : f32
      %broadcast_in_dim3A_352 = vector.broadcast %broadcast_in_dim3A_351 : f32 to vector<16xf32>
      %swap3A_353 = arith.index_cast %scan3A_327 : i32 to index
      %swap3A_354 = arith.constant 80 : index
      %swap3A_355 = tpu.vector_load %arg6[%swap3A_353, %swap3A_354] {strides = array<i32>} : memref<128x128xf32, #tpu.memory_space<vmem>>, vector<16xf32>,
      tpu.vector_store %arg6[%swap3A_353, %swap3A_354], %broadcast_in_dim3A_352 {strides = array<i32>} : memref<128x128xf32, #tpu.memory_space<vmem>>, vector<16xf32>,
      %broadcast_in_dim3A_356 = arith.constant 0.000000e+00 : f32
      %broadcast_in_dim3A_357 = vector.broadcast %broadcast_in_dim3A_356 : f32 to vector<16xf32>
      %swap3A_358 = arith.index_cast %scan3A_327 : i32 to index
      %swap3A_359 = arith.constant 96 : index
      %swap3A_360 = tpu.vector_load %arg6[%swap3A_358, %swap3A_359] {strides = array<i32>} : memref<128x128xf32, #tpu.memory_space<vmem>>, vector<16xf32>,
      tpu.vector_store %arg6[%swap3A_358, %swap3A_359], %broadcast_in_dim3A_357 {strides = array<i32>} : memref<128x128xf32, #tpu.memory_space<vmem>>, vector<16xf32>,
      %broadcast_in_dim3A_361 = arith.constant 0.000000e+00 : f32
      %broadcast_in_dim3A_362 = vector.broadcast %broadcast_in_dim3A_361 : f32 to vector<16xf32>
      %swap3A_363 = arith.index_cast %scan3A_327 : i32 to index
      %swap3A_364 = arith.constant 112 : index
      %swap3A_365 = tpu.vector_load %arg6[%swap3A_363, %swap3A_364] {strides = array<i32>} : memref<128x128xf32, #tpu.memory_space<vmem>>, vector<16xf32>,
      tpu.vector_store %arg6[%swap3A_363, %swap3A_364], %broadcast_in_dim3A_362 {strides = array<i32>} : memref<128x128xf32, #tpu.memory_space<vmem>>, vector<16xf32>,
    }
    %scan3A_9 = arith.constant 128 : i32
    %iota3A = tpu.iota {dimensions = array<i32: 0>} : vector<16xi32>
    %add3A_10 = arith.constant 0 : i32
    %add3A_11 = vector.broadcast %add3A_10 : i32 to vector<16xi32>
    %add3A_12 = arith.addi %add3A_11, %iota3A : vector<16xi32>
    %shift_right_arithmetic3A_13 = arith.constant 5 : i32
    %shift_right_arithmetic3A_14 = vector.broadcast %shift_right_arithmetic3A_13 : i32 to vector<16xi32>
    %shift_right_arithmetic3A_15 = arith.shrsi %add3A_12, %shift_right_arithmetic3A_14 : vector<16xi32>
    %and3A_16 = arith.constant 1 : i32
    %and3A_17 = vector.broadcast %and3A_16 : i32 to vector<16xi32>
    %and3A_18 = arith.andi %shift_right_arithmetic3A_15, %and3A_17 : vector<16xi32>
    %shift_right_arithmetic3A_19 = arith.constant 6 : i32
    %shift_right_arithmetic3A_20 = vector.broadcast %shift_right_arithmetic3A_19 : i32 to vector<16xi32>
    %shift_right_arithmetic3A_21 = arith.shrsi %add3A_12, %shift_right_arithmetic3A_20 : vector<16xi32>
    %shift_left3A = arith.constant 5 : i32
    %shift_left3A_22 = vector.broadcast %shift_left3A : i32 to vector<16xi32>
    %shift_left3A_23 = arith.shli %shift_right_arithmetic3A_21, %shift_left3A_22 : vector<16xi32>
    %and3A_24 = arith.constant 31 : i32
    %and3A_25 = vector.broadcast %and3A_24 : i32 to vector<16xi32>
    %and3A_26 = arith.andi %add3A_12, %and3A_25 : vector<16xi32>
    %add3A_27 = arith.addi %shift_left3A_23, %and3A_26 : vector<16xi32>
    %gather3A = tpu.vector_load_idx %arg5[%add3A_27] : memref<128xf32, #tpu.memory_space<vmem>>[vector<16xi32>], vector<16xf32>,
    tpu.vector_store_idx %arg6[%add3A_12, %add3A_12], %gather3A : memref<128x128xf32, #tpu.memory_space<vmem>>[vector<16xi32>, vector<16xi32>], vector<16xf32>,
    %add3A_28 = arith.constant 32 : i32
    %add3A_29 = vector.broadcast %add3A_28 : i32 to vector<16xi32>
    %add3A_30 = arith.addi %add3A_12, %add3A_29 : vector<16xi32>
    %shift_left3A_31 = arith.constant 6 : i32
    %shift_left3A_32 = vector.broadcast %shift_left3A_31 : i32 to vector<16xi32>
    %shift_left3A_33 = arith.shli %and3A_18, %shift_left3A_32 : vector<16xi32>
    %sub3A = arith.subi %add3A_30, %shift_left3A_33 : vector<16xi32>
    %mul3A_34 = arith.constant 2 : i32
    %mul3A_35 = vector.broadcast %mul3A_34 : i32 to vector<16xi32>
    %mul3A_36 = arith.muli %mul3A_35, %and3A_18 : vector<16xi32>
    %sub3A_37 = arith.constant 1 : i32
    %sub3A_38 = vector.broadcast %sub3A_37 : i32 to vector<16xi32>
    %sub3A_39 = arith.subi %mul3A_36, %sub3A_38 : vector<16xi32>
    %convert_element_type3A = arith.sitofp %sub3A_39 : vector<16xi32> to vector<16xf32>
    %add3A_40 = arith.constant 64 : i32
    %add3A_41 = vector.broadcast %add3A_40 : i32 to vector<16xi32>
    %add3A_42 = arith.addi %add3A_41, %add3A_27 : vector<16xi32>
    %gather3A_43 = tpu.vector_load_idx %arg5[%add3A_42] : memref<128xf32, #tpu.memory_space<vmem>>[vector<16xi32>], vector<16xf32>,
    %mul3A_44 = arith.mulf %gather3A_43, %convert_element_type3A : vector<16xf32>
    tpu.vector_store_idx %arg6[%add3A_12, %sub3A], %mul3A_44 : memref<128x128xf32, #tpu.memory_space<vmem>>[vector<16xi32>, vector<16xi32>], vector<16xf32>,
    %iota3A_45 = tpu.iota {dimensions = array<i32: 0>} : vector<16xi32>
    %add3A_46 = arith.constant 16 : i32
    %add3A_47 = vector.broadcast %add3A_46 : i32 to vector<16xi32>
    %add3A_48 = arith.addi %add3A_47, %iota3A_45 : vector<16xi32>
    %shift_right_arithmetic3A_49 = arith.constant 5 : i32
    %shift_right_arithmetic3A_50 = vector.broadcast %shift_right_arithmetic3A_49 : i32 to vector<16xi32>
    %shift_right_arithmetic3A_51 = arith.shrsi %add3A_48, %shift_right_arithmetic3A_50 : vector<16xi32>
    %and3A_52 = arith.constant 1 : i32
    %and3A_53 = vector.broadcast %and3A_52 : i32 to vector<16xi32>
    %and3A_54 = arith.andi %shift_right_arithmetic3A_51, %and3A_53 : vector<16xi32>
    %shift_right_arithmetic3A_55 = arith.constant 6 : i32
    %shift_right_arithmetic3A_56 = vector.broadcast %shift_right_arithmetic3A_55 : i32 to vector<16xi32>
    %shift_right_arithmetic3A_57 = arith.shrsi %add3A_48, %shift_right_arithmetic3A_56 : vector<16xi32>
    %shift_left3A_58 = arith.constant 5 : i32
    %shift_left3A_59 = vector.broadcast %shift_left3A_58 : i32 to vector<16xi32>
    %shift_left3A_60 = arith.shli %shift_right_arithmetic3A_57, %shift_left3A_59 : vector<16xi32>
    %and3A_61 = arith.constant 31 : i32
    %and3A_62 = vector.broadcast %and3A_61 : i32 to vector<16xi32>
    %and3A_63 = arith.andi %add3A_48, %and3A_62 : vector<16xi32>
    %add3A_64 = arith.addi %shift_left3A_60, %and3A_63 : vector<16xi32>
    %gather3A_65 = tpu.vector_load_idx %arg5[%add3A_64] : memref<128xf32, #tpu.memory_space<vmem>>[vector<16xi32>], vector<16xf32>,
    tpu.vector_store_idx %arg6[%add3A_48, %add3A_48], %gather3A_65 : memref<128x128xf32, #tpu.memory_space<vmem>>[vector<16xi32>, vector<16xi32>], vector<16xf32>,
    %add3A_66 = arith.constant 32 : i32
    %add3A_67 = vector.broadcast %add3A_66 : i32 to vector<16xi32>
    %add3A_68 = arith.addi %add3A_48, %add3A_67 : vector<16xi32>
    %shift_left3A_69 = arith.constant 6 : i32
    %shift_left3A_70 = vector.broadcast %shift_left3A_69 : i32 to vector<16xi32>
    %shift_left3A_71 = arith.shli %and3A_54, %shift_left3A_70 : vector<16xi32>
    %sub3A_72 = arith.subi %add3A_68, %shift_left3A_71 : vector<16xi32>
    %mul3A_73 = arith.constant 2 : i32
    %mul3A_74 = vector.broadcast %mul3A_73 : i32 to vector<16xi32>
    %mul3A_75 = arith.muli %mul3A_74, %and3A_54 : vector<16xi32>
    %sub3A_76 = arith.constant 1 : i32
    %sub3A_77 = vector.broadcast %sub3A_76 : i32 to vector<16xi32>
    %sub3A_78 = arith.subi %mul3A_75, %sub3A_77 : vector<16xi32>
    %convert_element_type3A_79 = arith.sitofp %sub3A_78 : vector<16xi32> to vector<16xf32>
    %add3A_80 = arith.constant 64 : i32
    %add3A_81 = vector.broadcast %add3A_80 : i32 to vector<16xi32>
    %add3A_82 = arith.addi %add3A_81, %add3A_64 : vector<16xi32>
    %gather3A_83 = tpu.vector_load_idx %arg5[%add3A_82] : memref<128xf32, #tpu.memory_space<vmem>>[vector<16xi32>], vector<16xf32>,
    %mul3A_84 = arith.mulf %gather3A_83, %convert_element_type3A_79 : vector<16xf32>
    tpu.vector_store_idx %arg6[%add3A_48, %sub3A_72], %mul3A_84 : memref<128x128xf32, #tpu.memory_space<vmem>>[vector<16xi32>, vector<16xi32>], vector<16xf32>,
    %iota3A_85 = tpu.iota {dimensions = array<i32: 0>} : vector<16xi32>
    %add3A_86 = arith.constant 32 : i32
    %add3A_87 = vector.broadcast %add3A_86 : i32 to vector<16xi32>
    %add3A_88 = arith.addi %add3A_87, %iota3A_85 : vector<16xi32>
    %shift_right_arithmetic3A_89 = arith.constant 5 : i32
    %shift_right_arithmetic3A_90 = vector.broadcast %shift_right_arithmetic3A_89 : i32 to vector<16xi32>
    %shift_right_arithmetic3A_91 = arith.shrsi %add3A_88, %shift_right_arithmetic3A_90 : vector<16xi32>
    %and3A_92 = arith.constant 1 : i32
    %and3A_93 = vector.broadcast %and3A_92 : i32 to vector<16xi32>
    %and3A_94 = arith.andi %shift_right_arithmetic3A_91, %and3A_93 : vector<16xi32>
    %shift_right_arithmetic3A_95 = arith.constant 6 : i32
    %shift_right_arithmetic3A_96 = vector.broadcast %shift_right_arithmetic3A_95 : i32 to vector<16xi32>
    %shift_right_arithmetic3A_97 = arith.shrsi %add3A_88, %shift_right_arithmetic3A_96 : vector<16xi32>
    %shift_left3A_98 = arith.constant 5 : i32
    %shift_left3A_99 = vector.broadcast %shift_left3A_98 : i32 to vector<16xi32>
    %shift_left3A_100 = arith.shli %shift_right_arithmetic3A_97, %shift_left3A_99 : vector<16xi32>
    %and3A_101 = arith.constant 31 : i32
    %and3A_102 = vector.broadcast %and3A_101 : i32 to vector<16xi32>
    %and3A_103 = arith.andi %add3A_88, %and3A_102 : vector<16xi32>
    %add3A_104 = arith.addi %shift_left3A_100, %and3A_103 : vector<16xi32>
    %gather3A_105 = tpu.vector_load_idx %arg5[%add3A_104] : memref<128xf32, #tpu.memory_space<vmem>>[vector<16xi32>], vector<16xf32>,
    tpu.vector_store_idx %arg6[%add3A_88, %add3A_88], %gather3A_105 : memref<128x128xf32, #tpu.memory_space<vmem>>[vector<16xi32>, vector<16xi32>], vector<16xf32>,
    %add3A_106 = arith.constant 32 : i32
    %add3A_107 = vector.broadcast %add3A_106 : i32 to vector<16xi32>
    %add3A_108 = arith.addi %add3A_88, %add3A_107 : vector<16xi32>
    %shift_left3A_109 = arith.constant 6 : i32
    %shift_left3A_110 = vector.broadcast %shift_left3A_109 : i32 to vector<16xi32>
    %shift_left3A_111 = arith.shli %and3A_94, %shift_left3A_110 : vector<16xi32>
    %sub3A_112 = arith.subi %add3A_108, %shift_left3A_111 : vector<16xi32>
    %mul3A_113 = arith.constant 2 : i32
    %mul3A_114 = vector.broadcast %mul3A_113 : i32 to vector<16xi32>
    %mul3A_115 = arith.muli %mul3A_114, %and3A_94 : vector<16xi32>
    %sub3A_116 = arith.constant 1 : i32
    %sub3A_117 = vector.broadcast %sub3A_116 : i32 to vector<16xi32>
    %sub3A_118 = arith.subi %mul3A_115, %sub3A_117 : vector<16xi32>
    %convert_element_type3A_119 = arith.sitofp %sub3A_118 : vector<16xi32> to vector<16xf32>
    %add3A_120 = arith.constant 64 : i32
    %add3A_121 = vector.broadcast %add3A_120 : i32 to vector<16xi32>
    %add3A_122 = arith.addi %add3A_121, %add3A_104 : vector<16xi32>
    %gather3A_123 = tpu.vector_load_idx %arg5[%add3A_122] : memref<128xf32, #tpu.memory_space<vmem>>[vector<16xi32>], vector<16xf32>,
    %mul3A_124 = arith.mulf %gather3A_123, %convert_element_type3A_119 : vector<16xf32>
    tpu.vector_store_idx %arg6[%add3A_88, %sub3A_112], %mul3A_124 : memref<128x128xf32, #tpu.memory_space<vmem>>[vector<16xi32>, vector<16xi32>], vector<16xf32>,
    %iota3A_125 = tpu.iota {dimensions = array<i32: 0>} : vector<16xi32>
    %add3A_126 = arith.constant 48 : i32
    %add3A_127 = vector.broadcast %add3A_126 : i32 to vector<16xi32>
    %add3A_128 = arith.addi %add3A_127, %iota3A_125 : vector<16xi32>
    %shift_right_arithmetic3A_129 = arith.constant 5 : i32
    %shift_right_arithmetic3A_130 = vector.broadcast %shift_right_arithmetic3A_129 : i32 to vector<16xi32>
    %shift_right_arithmetic3A_131 = arith.shrsi %add3A_128, %shift_right_arithmetic3A_130 : vector<16xi32>
    %and3A_132 = arith.constant 1 : i32
    %and3A_133 = vector.broadcast %and3A_132 : i32 to vector<16xi32>
    %and3A_134 = arith.andi %shift_right_arithmetic3A_131, %and3A_133 : vector<16xi32>
    %shift_right_arithmetic3A_135 = arith.constant 6 : i32
    %shift_right_arithmetic3A_136 = vector.broadcast %shift_right_arithmetic3A_135 : i32 to vector<16xi32>
    %shift_right_arithmetic3A_137 = arith.shrsi %add3A_128, %shift_right_arithmetic3A_136 : vector<16xi32>
    %shift_left3A_138 = arith.constant 5 : i32
    %shift_left3A_139 = vector.broadcast %shift_left3A_138 : i32 to vector<16xi32>
    %shift_left3A_140 = arith.shli %shift_right_arithmetic3A_137, %shift_left3A_139 : vector<16xi32>
    %and3A_141 = arith.constant 31 : i32
    %and3A_142 = vector.broadcast %and3A_141 : i32 to vector<16xi32>
    %and3A_143 = arith.andi %add3A_128, %and3A_142 : vector<16xi32>
    %add3A_144 = arith.addi %shift_left3A_140, %and3A_143 : vector<16xi32>
    %gather3A_145 = tpu.vector_load_idx %arg5[%add3A_144] : memref<128xf32, #tpu.memory_space<vmem>>[vector<16xi32>], vector<16xf32>,
    tpu.vector_store_idx %arg6[%add3A_128, %add3A_128], %gather3A_145 : memref<128x128xf32, #tpu.memory_space<vmem>>[vector<16xi32>, vector<16xi32>], vector<16xf32>,
    %add3A_146 = arith.constant 32 : i32
    %add3A_147 = vector.broadcast %add3A_146 : i32 to vector<16xi32>
    %add3A_148 = arith.addi %add3A_128, %add3A_147 : vector<16xi32>
    %shift_left3A_149 = arith.constant 6 : i32
    %shift_left3A_150 = vector.broadcast %shift_left3A_149 : i32 to vector<16xi32>
    %shift_left3A_151 = arith.shli %and3A_134, %shift_left3A_150 : vector<16xi32>
    %sub3A_152 = arith.subi %add3A_148, %shift_left3A_151 : vector<16xi32>
    %mul3A_153 = arith.constant 2 : i32
    %mul3A_154 = vector.broadcast %mul3A_153 : i32 to vector<16xi32>
    %mul3A_155 = arith.muli %mul3A_154, %and3A_134 : vector<16xi32>
    %sub3A_156 = arith.constant 1 : i32
    %sub3A_157 = vector.broadcast %sub3A_156 : i32 to vector<16xi32>
    %sub3A_158 = arith.subi %mul3A_155, %sub3A_157 : vector<16xi32>
    %convert_element_type3A_159 = arith.sitofp %sub3A_158 : vector<16xi32> to vector<16xf32>
    %add3A_160 = arith.constant 64 : i32
    %add3A_161 = vector.broadcast %add3A_160 : i32 to vector<16xi32>
    %add3A_162 = arith.addi %add3A_161, %add3A_144 : vector<16xi32>
    %gather3A_163 = tpu.vector_load_idx %arg5[%add3A_162] : memref<128xf32, #tpu.memory_space<vmem>>[vector<16xi32>], vector<16xf32>,
    %mul3A_164 = arith.mulf %gather3A_163, %convert_element_type3A_159 : vector<16xf32>
    tpu.vector_store_idx %arg6[%add3A_128, %sub3A_152], %mul3A_164 : memref<128x128xf32, #tpu.memory_space<vmem>>[vector<16xi32>, vector<16xi32>], vector<16xf32>,
    %iota3A_165 = tpu.iota {dimensions = array<i32: 0>} : vector<16xi32>
    %add3A_166 = arith.constant 64 : i32
    %add3A_167 = vector.broadcast %add3A_166 : i32 to vector<16xi32>
    %add3A_168 = arith.addi %add3A_167, %iota3A_165 : vector<16xi32>
    %shift_right_arithmetic3A_169 = arith.constant 5 : i32
    %shift_right_arithmetic3A_170 = vector.broadcast %shift_right_arithmetic3A_169 : i32 to vector<16xi32>
    %shift_right_arithmetic3A_171 = arith.shrsi %add3A_168, %shift_right_arithmetic3A_170 : vector<16xi32>
    %and3A_172 = arith.constant 1 : i32
    %and3A_173 = vector.broadcast %and3A_172 : i32 to vector<16xi32>
    %and3A_174 = arith.andi %shift_right_arithmetic3A_171, %and3A_173 : vector<16xi32>
    %shift_right_arithmetic3A_175 = arith.constant 6 : i32
    %shift_right_arithmetic3A_176 = vector.broadcast %shift_right_arithmetic3A_175 : i32 to vector<16xi32>
    %shift_right_arithmetic3A_177 = arith.shrsi %add3A_168, %shift_right_arithmetic3A_176 : vector<16xi32>
    %shift_left3A_178 = arith.constant 5 : i32
    %shift_left3A_179 = vector.broadcast %shift_left3A_178 : i32 to vector<16xi32>
    %shift_left3A_180 = arith.shli %shift_right_arithmetic3A_177, %shift_left3A_179 : vector<16xi32>
    %and3A_181 = arith.constant 31 : i32
    %and3A_182 = vector.broadcast %and3A_181 : i32 to vector<16xi32>
    %and3A_183 = arith.andi %add3A_168, %and3A_182 : vector<16xi32>
    %add3A_184 = arith.addi %shift_left3A_180, %and3A_183 : vector<16xi32>
    %gather3A_185 = tpu.vector_load_idx %arg5[%add3A_184] : memref<128xf32, #tpu.memory_space<vmem>>[vector<16xi32>], vector<16xf32>,
    tpu.vector_store_idx %arg6[%add3A_168, %add3A_168], %gather3A_185 : memref<128x128xf32, #tpu.memory_space<vmem>>[vector<16xi32>, vector<16xi32>], vector<16xf32>,
    %add3A_186 = arith.constant 32 : i32
    %add3A_187 = vector.broadcast %add3A_186 : i32 to vector<16xi32>
    %add3A_188 = arith.addi %add3A_168, %add3A_187 : vector<16xi32>
    %shift_left3A_189 = arith.constant 6 : i32
    %shift_left3A_190 = vector.broadcast %shift_left3A_189 : i32 to vector<16xi32>
    %shift_left3A_191 = arith.shli %and3A_174, %shift_left3A_190 : vector<16xi32>
    %sub3A_192 = arith.subi %add3A_188, %shift_left3A_191 : vector<16xi32>
    %mul3A_193 = arith.constant 2 : i32
    %mul3A_194 = vector.broadcast %mul3A_193 : i32 to vector<16xi32>
    %mul3A_195 = arith.muli %mul3A_194, %and3A_174 : vector<16xi32>
    %sub3A_196 = arith.constant 1 : i32
    %sub3A_197 = vector.broadcast %sub3A_196 : i32 to vector<16xi32>
    %sub3A_198 = arith.subi %mul3A_195, %sub3A_197 : vector<16xi32>
    %convert_element_type3A_199 = arith.sitofp %sub3A_198 : vector<16xi32> to vector<16xf32>
    %add3A_200 = arith.constant 64 : i32
    %add3A_201 = vector.broadcast %add3A_200 : i32 to vector<16xi32>
    %add3A_202 = arith.addi %add3A_201, %add3A_184 : vector<16xi32>
    %gather3A_203 = tpu.vector_load_idx %arg5[%add3A_202] : memref<128xf32, #tpu.memory_space<vmem>>[vector<16xi32>], vector<16xf32>,
    %mul3A_204 = arith.mulf %gather3A_203, %convert_element_type3A_199 : vector<16xf32>
    tpu.vector_store_idx %arg6[%add3A_168, %sub3A_192], %mul3A_204 : memref<128x128xf32, #tpu.memory_space<vmem>>[vector<16xi32>, vector<16xi32>], vector<16xf32>,
    %iota3A_205 = tpu.iota {dimensions = array<i32: 0>} : vector<16xi32>
    %add3A_206 = arith.constant 80 : i32
    %add3A_207 = vector.broadcast %add3A_206 : i32 to vector<16xi32>
    %add3A_208 = arith.addi %add3A_207, %iota3A_205 : vector<16xi32>
    %shift_right_arithmetic3A_209 = arith.constant 5 : i32
    %shift_right_arithmetic3A_210 = vector.broadcast %shift_right_arithmetic3A_209 : i32 to vector<16xi32>
    %shift_right_arithmetic3A_211 = arith.shrsi %add3A_208, %shift_right_arithmetic3A_210 : vector<16xi32>
    %and3A_212 = arith.constant 1 : i32
    %and3A_213 = vector.broadcast %and3A_212 : i32 to vector<16xi32>
    %and3A_214 = arith.andi %shift_right_arithmetic3A_211, %and3A_213 : vector<16xi32>
    %shift_right_arithmetic3A_215 = arith.constant 6 : i32
    %shift_right_arithmetic3A_216 = vector.broadcast %shift_right_arithmetic3A_215 : i32 to vector<16xi32>
    %shift_right_arithmetic3A_217 = arith.shrsi %add3A_208, %shift_right_arithmetic3A_216 : vector<16xi32>
    %shift_left3A_218 = arith.constant 5 : i32
    %shift_left3A_219 = vector.broadcast %shift_left3A_218 : i32 to vector<16xi32>
    %shift_left3A_220 = arith.shli %shift_right_arithmetic3A_217, %shift_left3A_219 : vector<16xi32>
    %and3A_221 = arith.constant 31 : i32
    %and3A_222 = vector.broadcast %and3A_221 : i32 to vector<16xi32>
    %and3A_223 = arith.andi %add3A_208, %and3A_222 : vector<16xi32>
    %add3A_224 = arith.addi %shift_left3A_220, %and3A_223 : vector<16xi32>
    %gather3A_225 = tpu.vector_load_idx %arg5[%add3A_224] : memref<128xf32, #tpu.memory_space<vmem>>[vector<16xi32>], vector<16xf32>,
    tpu.vector_store_idx %arg6[%add3A_208, %add3A_208], %gather3A_225 : memref<128x128xf32, #tpu.memory_space<vmem>>[vector<16xi32>, vector<16xi32>], vector<16xf32>,
    %add3A_226 = arith.constant 32 : i32
    %add3A_227 = vector.broadcast %add3A_226 : i32 to vector<16xi32>
    %add3A_228 = arith.addi %add3A_208, %add3A_227 : vector<16xi32>
    %shift_left3A_229 = arith.constant 6 : i32
    %shift_left3A_230 = vector.broadcast %shift_left3A_229 : i32 to vector<16xi32>
    %shift_left3A_231 = arith.shli %and3A_214, %shift_left3A_230 : vector<16xi32>
    %sub3A_232 = arith.subi %add3A_228, %shift_left3A_231 : vector<16xi32>
    %mul3A_233 = arith.constant 2 : i32
    %mul3A_234 = vector.broadcast %mul3A_233 : i32 to vector<16xi32>
    %mul3A_235 = arith.muli %mul3A_234, %and3A_214 : vector<16xi32>
    %sub3A_236 = arith.constant 1 : i32
    %sub3A_237 = vector.broadcast %sub3A_236 : i32 to vector<16xi32>
    %sub3A_238 = arith.subi %mul3A_235, %sub3A_237 : vector<16xi32>
    %convert_element_type3A_239 = arith.sitofp %sub3A_238 : vector<16xi32> to vector<16xf32>
    %add3A_240 = arith.constant 64 : i32
    %add3A_241 = vector.broadcast %add3A_240 : i32 to vector<16xi32>
    %add3A_242 = arith.addi %add3A_241, %add3A_224 : vector<16xi32>
    %gather3A_243 = tpu.vector_load_idx %arg5[%add3A_242] : memref<128xf32, #tpu.memory_space<vmem>>[vector<16xi32>], vector<16xf32>,
    %mul3A_244 = arith.mulf %gather3A_243, %convert_element_type3A_239 : vector<16xf32>
    tpu.vector_store_idx %arg6[%add3A_208, %sub3A_232], %mul3A_244 : memref<128x128xf32, #tpu.memory_space<vmem>>[vector<16xi32>, vector<16xi32>], vector<16xf32>,
    %iota3A_245 = tpu.iota {dimensions = array<i32: 0>} : vector<16xi32>
    %add3A_246 = arith.constant 96 : i32
    %add3A_247 = vector.broadcast %add3A_246 : i32 to vector<16xi32>
    %add3A_248 = arith.addi %add3A_247, %iota3A_245 : vector<16xi32>
    %shift_right_arithmetic3A_249 = arith.constant 5 : i32
    %shift_right_arithmetic3A_250 = vector.broadcast %shift_right_arithmetic3A_249 : i32 to vector<16xi32>
    %shift_right_arithmetic3A_251 = arith.shrsi %add3A_248, %shift_right_arithmetic3A_250 : vector<16xi32>
    %and3A_252 = arith.constant 1 : i32
    %and3A_253 = vector.broadcast %and3A_252 : i32 to vector<16xi32>
    %and3A_254 = arith.andi %shift_right_arithmetic3A_251, %and3A_253 : vector<16xi32>
    %shift_right_arithmetic3A_255 = arith.constant 6 : i32
    %shift_right_arithmetic3A_256 = vector.broadcast %shift_right_arithmetic3A_255 : i32 to vector<16xi32>
    %shift_right_arithmetic3A_257 = arith.shrsi %add3A_248, %shift_right_arithmetic3A_256 : vector<16xi32>
    %shift_left3A_258 = arith.constant 5 : i32
    %shift_left3A_259 = vector.broadcast %shift_left3A_258 : i32 to vector<16xi32>
    %shift_left3A_260 = arith.shli %shift_right_arithmetic3A_257, %shift_left3A_259 : vector<16xi32>
    %and3A_261 = arith.constant 31 : i32
    %and3A_262 = vector.broadcast %and3A_261 : i32 to vector<16xi32>
    %and3A_263 = arith.andi %add3A_248, %and3A_262 : vector<16xi32>
    %add3A_264 = arith.addi %shift_left3A_260, %and3A_263 : vector<16xi32>
    %gather3A_265 = tpu.vector_load_idx %arg5[%add3A_264] : memref<128xf32, #tpu.memory_space<vmem>>[vector<16xi32>], vector<16xf32>,
    tpu.vector_store_idx %arg6[%add3A_248, %add3A_248], %gather3A_265 : memref<128x128xf32, #tpu.memory_space<vmem>>[vector<16xi32>, vector<16xi32>], vector<16xf32>,
    %add3A_266 = arith.constant 32 : i32
    %add3A_267 = vector.broadcast %add3A_266 : i32 to vector<16xi32>
    %add3A_268 = arith.addi %add3A_248, %add3A_267 : vector<16xi32>
    %shift_left3A_269 = arith.constant 6 : i32
    %shift_left3A_270 = vector.broadcast %shift_left3A_269 : i32 to vector<16xi32>
    %shift_left3A_271 = arith.shli %and3A_254, %shift_left3A_270 : vector<16xi32>
    %sub3A_272 = arith.subi %add3A_268, %shift_left3A_271 : vector<16xi32>
    %mul3A_273 = arith.constant 2 : i32
    %mul3A_274 = vector.broadcast %mul3A_273 : i32 to vector<16xi32>
    %mul3A_275 = arith.muli %mul3A_274, %and3A_254 : vector<16xi32>
    %sub3A_276 = arith.constant 1 : i32
    %sub3A_277 = vector.broadcast %sub3A_276 : i32 to vector<16xi32>
    %sub3A_278 = arith.subi %mul3A_275, %sub3A_277 : vector<16xi32>
    %convert_element_type3A_279 = arith.sitofp %sub3A_278 : vector<16xi32> to vector<16xf32>
    %add3A_280 = arith.constant 64 : i32
    %add3A_281 = vector.broadcast %add3A_280 : i32 to vector<16xi32>
    %add3A_282 = arith.addi %add3A_281, %add3A_264 : vector<16xi32>
    %gather3A_283 = tpu.vector_load_idx %arg5[%add3A_282] : memref<128xf32, #tpu.memory_space<vmem>>[vector<16xi32>], vector<16xf32>,
    %mul3A_284 = arith.mulf %gather3A_283, %convert_element_type3A_279 : vector<16xf32>
    tpu.vector_store_idx %arg6[%add3A_248, %sub3A_272], %mul3A_284 : memref<128x128xf32, #tpu.memory_space<vmem>>[vector<16xi32>, vector<16xi32>], vector<16xf32>,
    %iota3A_285 = tpu.iota {dimensions = array<i32: 0>} : vector<16xi32>
    %add3A_286 = arith.constant 112 : i32
    %add3A_287 = vector.broadcast %add3A_286 : i32 to vector<16xi32>
    %add3A_288 = arith.addi %add3A_287, %iota3A_285 : vector<16xi32>
    %shift_right_arithmetic3A_289 = arith.constant 5 : i32
    %shift_right_arithmetic3A_290 = vector.broadcast %shift_right_arithmetic3A_289 : i32 to vector<16xi32>
    %shift_right_arithmetic3A_291 = arith.shrsi %add3A_288, %shift_right_arithmetic3A_290 : vector<16xi32>
    %and3A_292 = arith.constant 1 : i32
    %and3A_293 = vector.broadcast %and3A_292 : i32 to vector<16xi32>
    %and3A_294 = arith.andi %shift_right_arithmetic3A_291, %and3A_293 : vector<16xi32>
    %shift_right_arithmetic3A_295 = arith.constant 6 : i32
    %shift_right_arithmetic3A_296 = vector.broadcast %shift_right_arithmetic3A_295 : i32 to vector<16xi32>
    %shift_right_arithmetic3A_297 = arith.shrsi %add3A_288, %shift_right_arithmetic3A_296 : vector<16xi32>
    %shift_left3A_298 = arith.constant 5 : i32
    %shift_left3A_299 = vector.broadcast %shift_left3A_298 : i32 to vector<16xi32>
    %shift_left3A_300 = arith.shli %shift_right_arithmetic3A_297, %shift_left3A_299 : vector<16xi32>
    %and3A_301 = arith.constant 31 : i32
    %and3A_302 = vector.broadcast %and3A_301 : i32 to vector<16xi32>
    %and3A_303 = arith.andi %add3A_288, %and3A_302 : vector<16xi32>
    %add3A_304 = arith.addi %shift_left3A_300, %and3A_303 : vector<16xi32>
    %gather3A_305 = tpu.vector_load_idx %arg5[%add3A_304] : memref<128xf32, #tpu.memory_space<vmem>>[vector<16xi32>], vector<16xf32>,
    tpu.vector_store_idx %arg6[%add3A_288, %add3A_288], %gather3A_305 : memref<128x128xf32, #tpu.memory_space<vmem>>[vector<16xi32>, vector<16xi32>], vector<16xf32>,
    %add3A_306 = arith.constant 32 : i32
    %add3A_307 = vector.broadcast %add3A_306 : i32 to vector<16xi32>
    %add3A_308 = arith.addi %add3A_288, %add3A_307 : vector<16xi32>
    %shift_left3A_309 = arith.constant 6 : i32
    %shift_left3A_310 = vector.broadcast %shift_left3A_309 : i32 to vector<16xi32>
    %shift_left3A_311 = arith.shli %and3A_294, %shift_left3A_310 : vector<16xi32>
    %sub3A_312 = arith.subi %add3A_308, %shift_left3A_311 : vector<16xi32>
    %mul3A_313 = arith.constant 2 : i32
    %mul3A_314 = vector.broadcast %mul3A_313 : i32 to vector<16xi32>
    %mul3A_315 = arith.muli %mul3A_314, %and3A_294 : vector<16xi32>
    %sub3A_316 = arith.constant 1 : i32
    %sub3A_317 = vector.broadcast %sub3A_316 : i32 to vector<16xi32>
    %sub3A_318 = arith.subi %mul3A_315, %sub3A_317 : vector<16xi32>
    %convert_element_type3A_319 = arith.sitofp %sub3A_318 : vector<16xi32> to vector<16xf32>
    %add3A_320 = arith.constant 64 : i32
    %add3A_321 = vector.broadcast %add3A_320 : i32 to vector<16xi32>
    %add3A_322 = arith.addi %add3A_321, %add3A_304 : vector<16xi32>
    %gather3A_323 = tpu.vector_load_idx %arg5[%add3A_322] : memref<128xf32, #tpu.memory_space<vmem>>[vector<16xi32>], vector<16xf32>,
    %mul3A_324 = arith.mulf %gather3A_323, %convert_element_type3A_319 : vector<16xf32>
    tpu.vector_store_idx %arg6[%add3A_288, %sub3A_312], %mul3A_324 : memref<128x128xf32, #tpu.memory_space<vmem>>[vector<16xi32>, vector<16xi32>], vector<16xf32>,
    %dma_start3A = tpu.memref_slice %arg3[%mul3A_2, %mul3A_2] : memref<4096x4096xf32, #tpu.memory_space<hbm>> -> memref<128x128xf32, #tpu.memory_space<hbm>>
    %dma_start3A_325 = tpu.memref_slice %arg3[%mul3A_2, %mul3A_2] : memref<4096x4096xf32, #tpu.memory_space<hbm>> -> memref<128x128xf32, #tpu.memory_space<hbm>>
    tpu.enqueue_dma source(%arg6 : memref<128x128xf32, #tpu.memory_space<vmem>>) target(%dma_start3A_325 : memref<128x128xf32, #tpu.memory_space<hbm>>) target_semaphore(%arg7 : memref<!tpu.dma_semaphore, #tpu.memory_space<semaphore_mem>>)
    %dma_wait3A = tpu.memref_slice %arg3[%mul3A_2, %mul3A_2] : memref<4096x4096xf32, #tpu.memory_space<hbm>> -> memref<128x128xf32, #tpu.memory_space<hbm>>
    %dma_wait3A_326 = tpu.memref_slice %arg3[%mul3A_2, %mul3A_2] : memref<4096x4096xf32, #tpu.memory_space<hbm>> -> memref<128x128xf32, #tpu.memory_space<hbm>>
    tpu.wait_dma2 semaphore(%arg7 : memref<!tpu.dma_semaphore, #tpu.memory_space<semaphore_mem>>) src(%arg6 : memref<128x128xf32, #tpu.memory_space<vmem>>) dst(%dma_wait3A_326 : memref<128x128xf32, #tpu.memory_space<hbm>>)
    return
  }
}

module attributes {stable_mosaic.version = 14 : i64} {
  func.func @_dense_body(%arg0: i32, %arg1: memref<1x1x128xf32, #tpu.memory_space<vmem>>, %arg2: memref<256x4096xf32, #tpu.memory_space<vmem>>, %arg3: memref<1x2x128xf32, #tpu.memory_space<vmem>>) attributes {dimension_semantics = [#tpu.dimension_semantics<arbitrary>], iteration_bounds = array<i64: 16>, scalar_prefetch = 0 : i64, scratch_operands = 0 : i64, tpu.core_type = #tpu.core_type<tc>, window_params = [{transform_indices = @transform_0, window_bounds = array<i64: 1, 1, 128>}, {transform_indices = @transform_1, window_bounds = array<i64: 256, 4096>}, {transform_indices = @transform_2, window_bounds = array<i64: 1, 2, 128>}]} {
    %broadcast_in_dim3A = arith.constant 0.000000e+00 : f32
    %broadcast_in_dim3A_0 = vector.broadcast %broadcast_in_dim3A : f32 to vector<256x4096xf32>
    %swap3A = arith.constant 0 : index
    %swap3A_1 = arith.constant 0 : index
    %swap3A_2 = vector.load %arg2[%swap3A, %swap3A_1] : memref<256x4096xf32, #tpu.memory_space<vmem>>, vector<256x4096xf32>
    tpu.vector_store %arg2[%swap3A, %swap3A_1], %broadcast_in_dim3A_0 {strides = array<i32>} : memref<256x4096xf32, #tpu.memory_space<vmem>>, vector<256x4096xf32>,
    %get3A = arith.constant 0 : index
    %get3A_3 = arith.constant 0 : index
    %get3A_4 = arith.constant 0 : index
    %get3A_5 = vector.load %arg1[%get3A, %get3A_3, %get3A_4] : memref<1x1x128xf32, #tpu.memory_space<vmem>>, vector<1x1x128xf32>
    %get3A_6 = vector.shape_cast %get3A_5 : vector<1x1x128xf32> to vector<1x128xf32>
    %cos3A = math.cos %get3A_6 : vector<1x128xf32>
    %sin3A = math.sin %get3A_6 : vector<1x128xf32>
    %slice3A = vector.extract_strided_slice %cos3A {offsets = [0, 0], sizes = [1, 64], strides = [1, 1]} : vector<1x128xf32> to vector<1x64xf32>
    %squeeze3A = vector.shape_cast %slice3A : vector<1x64xf32> to vector<64xf32>
    %slice3A_7 = vector.extract_strided_slice %sin3A {offsets = [0, 0], sizes = [1, 64], strides = [1, 1]} : vector<1x128xf32> to vector<1x64xf32>
    %squeeze3A_8 = vector.shape_cast %slice3A_7 : vector<1x64xf32> to vector<64xf32>
    %concatenate3A = tpu.concatenate %squeeze3A, %squeeze3A_8 in 0 : vector<64xf32>, vector<64xf32> -> vector<128xf32>
    %slice3A_9 = vector.extract_strided_slice %cos3A {offsets = [0, 64], sizes = [1, 64], strides = [1, 1]} : vector<1x128xf32> to vector<1x64xf32>
    %squeeze3A_10 = vector.shape_cast %slice3A_9 : vector<1x64xf32> to vector<64xf32>
    %slice3A_11 = vector.extract_strided_slice %sin3A {offsets = [0, 64], sizes = [1, 64], strides = [1, 1]} : vector<1x128xf32> to vector<1x64xf32>
    %squeeze3A_12 = vector.shape_cast %slice3A_11 : vector<1x64xf32> to vector<64xf32>
    %concatenate3A_13 = tpu.concatenate %squeeze3A_10, %squeeze3A_12 in 0 : vector<64xf32>, vector<64xf32> -> vector<128xf32>
    %stack3A = vector.shape_cast %concatenate3A : vector<128xf32> to vector<1x128xf32>
    %stack3A_14 = vector.shape_cast %concatenate3A_13 : vector<128xf32> to vector<1x128xf32>
    %stack3A_15 = tpu.concatenate %stack3A, %stack3A_14 in 0 : vector<1x128xf32>, vector<1x128xf32> -> vector<2x128xf32>
    %swap3A_16 = arith.constant 0 : index
    %swap3A_17 = arith.constant 0 : index
    %swap3A_18 = arith.constant 0 : index
    %swap3A_19 = vector.load %arg3[%swap3A_16, %swap3A_17, %swap3A_18] : memref<1x2x128xf32, #tpu.memory_space<vmem>>, vector<1x2x128xf32>
    %swap3A_20 = vector.shape_cast %swap3A_19 : vector<1x2x128xf32> to vector<2x128xf32>
    %swap3A_21 = vector.shape_cast %stack3A_15 : vector<2x128xf32> to vector<1x2x128xf32>
    tpu.vector_store %arg3[%swap3A_16, %swap3A_17, %swap3A_18], %swap3A_21 {strides = array<i32>} : memref<1x2x128xf32, #tpu.memory_space<vmem>>, vector<1x2x128xf32>,
    return
  }
  func.func @transform_0(%arg0: i32) -> (i32, i32, i32) {
    %c0_i32 = arith.constant 0 : i32
    %c0_i32_0 = arith.constant 0 : i32
    %c0_i32_1 = arith.constant 0 : i32
    return %arg0, %c0_i32, %c0_i32_0 : i32, i32, i32
  }
  func.func @transform_1(%arg0: i32) -> (i32, i32) {
    %c0_i32 = arith.constant 0 : i32
    %c0_i32_0 = arith.constant 0 : i32
    return %arg0, %c0_i32 : i32, i32
  }
  func.func @transform_2(%arg0: i32) -> (i32, i32, i32) {
    %c0_i32 = arith.constant 0 : i32
    %c0_i32_0 = arith.constant 0 : i32
    %c0_i32_1 = arith.constant 0 : i32
    return %arg0, %c0_i32, %c0_i32_0 : i32, i32, i32
  }
}

</mosaic_0001>

<sc_bundles>
// kernel: kernel.4.cloned.1.call-start
scs
__scs_entry_jumppad:
0x0: {  	(pc) =	sbr.rel $0x88, $3  }
0x1: {  	(tag) =	ssettag $0x0;
	lr =	simm.s32 $0x1  }
0x2: {  	[smem:$0x3FA0] =	sst lr;
	_ =	strace $0xD0000000  }
0x3: {  	_ = 	snop  }
0x4: {  	_ = 	snop  }
0x5: {  	_ = 	snop  }
0x6: {  	_ = 	snop  }
0x7: {  	_ = 	snop  }
__scs_overlays_trampoline_lowered:
0x8: {  	[smem:$0x3FAF] =	sst s0  }
0x9: {  	[smem:$0x3FB0] =	sst s1  }
0xa: {  	[smem:$0x3FB1] =	sst s2  }
0xb: {  	[smem:$0x3FB2] =	sst s3  }
0xc: {  	[smem:$0x3FB3] =	sst s4  }
0xd: {  	[smem:$0x3FB4] =	sst s5  }
0xe: {  	[smem:$0x3FB5] =	sst s6  }
0xf: {  	[smem:$0x3FB6] =	sst s7  }
0x10: {  	[smem:$0x3FB7] =	sst s8  }
0x11: {  	[smem:$0x3FB8] =	sst s9;
	s0 =	simm.s32 @!p0 $0x0  }
0x12: {  	s1 =	sld [smem:$0x3F9E];
	s0 =	simm.s32 @p0 $0x1  }
0x13: {  	[smem:$0x3FB9] =	sst s0;
	s0 =	simm.s32 @!p1 $0x0  }
0x14: {  	s2 =	sld [smem:$0x3F9D];
	s0 =	simm.s32 @p1 $0x1  }
0x15: {  	[smem:$0x3FBA] =	sst s0;
	s0 =	simm.s32 @!p2 $0x0  }
0x16: {  	s3 =	sld [smem:$0x3FDB];
	s0 =	simm.s32 @p2 $0x1  }
0x17: {  	s4 =	simm.s32 $0x1BF5;
	[smem:$0x3FBC] =	sst s0  }
0x18: {  	s0 =	sld [smem:$0x3F9F];
	_ =	swait.ge [sflag:s4], $0x0  }
0x19: {  	s7 =	sld [smem:$0x3FA0]  }
0x1a: {  	s8 =	sadd.s32 $0xFFFFE003, lr  }
0x1b: {  	s9 =	sadd.s32 $0xFFFFFEF7, lr;
	s5 =	simm.s32 $0xFFFFFFFF;
	p2 =	slt.u32 s8, $0xFFFFF086  }
0x1c: {  	p1 =	slt.u32 s9, $0xF7A;
	s5 =	simm.s32 @!p2 $0x0  }
0x1d: {  	s5 =	simm.s32 @p1 $0x1;
	p0 =	seq.s32 s7, s2  }
0x1e: {  	s7 =	smul.u32 @!p0 $0xF7A, s2;
	p2 =	seq.s32 @!p0 s5, $0x0  }
0x1f: {  	s9 =	smul.u32 $0xF7A, s1;
	s8 =	simm.s32 @!p0 $0x1BF5;
	p2 =	por !p2, p0  }
0x20: {  	[sflag:s8] =	ssyncset.s32 @!p0 $0xFFFFF086;
	s6 =	sadd.s32 @!p0 s3, s7;
	s7 =	simm.s32 @!p0 $0x108  }
0x21: {  	s3 =	sadd.s32 s3, s9;
	s6 =	sadd.s32 @!p0 $0x88, s6;
	s7 =	simm.s32 @p2 $0x1082  }
0x22: {  	[simem:s7], [sflag:s8] =	dma.local @!p0 [hbm:s6], $0xF7A  }
0x23: {  	s9 =	sor.u32 $0xD0000000, s2;
	s6 =	simm.s32 $0x108;
	_ =	swait.ge @!p0 [sflag:s8], $0x0  }
0x24: {  	s3 =	sadd.s32 $0x88, s3;
	s6 =	simm.s32 @!p1 $0x1082;
	[sflag:s4] =	ssyncset.s32 $0xFFFFF086  }
0x25: {  	[simem:s6], [sflag:s4] =	dma.local [hbm:s3], $0xF7A  }
0x26: {  	[smem:$0x3FA0] =	sst s1;
	(tag) =	ssettag s2;
	_ =	strace s9  }
0x27: {  	s1 =	sld [smem:$0x3FB0]  }
0x28: {  	s2 =	sld [smem:$0x3FB1]  }
0x29: {  	s4 =	sld [smem:$0x3FB3]  }
0x2a: {  	p0 =	seq.s32 s5, $0x0;
	s5 =	sld [smem:$0x3FB4]  }
0x2b: {  	s6 =	sld [smem:$0x3FB5]  }
0x2c: {  	s7 =	sld [smem:$0x3FB6]  }
0x2d: {  	s3 =	simm.s32 $0x108;
	s8 =	sld [smem:$0x3FB7]  }
0x2e: {  	s3 =	simm.s32 @!p0 $0x1082;
	s9 =	sld [smem:$0x3FB8]  }
0x2f: {  	lr =	sadd.s32 s0, s3;
	s0 =	sld [smem:$0x3FAF]  }
0x30: {  	s3 =	sld [smem:$0x3FB2]  }
0x31: {  	[smem:$0x3FBB] =	sst s10  }
0x32: {  	s10 =	sld [smem:$0x3FB9];
	_ =	sdelay $0x3  }
0x33: {  	p0 =	seq.s32 s10, $0x1;
	s10 =	sld [smem:$0x3FBB];
	_ =	sdelay $0x3  }
0x34: {  	[smem:$0x3FBB] =	sst s10  }
0x35: {  	s10 =	sld [smem:$0x3FBA];
	_ =	sdelay $0x3  }
0x36: {  	p1 =	seq.s32 s10, $0x1;
	s10 =	sld [smem:$0x3FBB];
	_ =	sdelay $0x3  }
0x37: {  	[smem:$0x3FBB] =	sst s10  }
0x38: {  	s10 =	sld [smem:$0x3FBC]  }
0x39: {  	_ = 	snop;
	(pc) =	sbr.ind lr, $3  }
0x3a: {  	_ = 	snop  }
0x3b: {  	_ = 	snop  }
0x3c: {  	p2 =	seq.s32 s10, $0x1;
	s10 =	sld [smem:$0x3FBB]  }
0x3d: {  	_ =	shalt  }
0x3e: {  	_ =	shalt  }
0x3f: {  	_ =	shalt  }
0x40: {  	_ =	shalt  }
0x41: {  	_ =	shalt  }
0x42: {  	_ =	shalt  }
0x43: {  	_ =	shalt  }
0x44: {  	_ =	shalt  }
0x45: {  	_ =	shalt  }
0x46: {  	_ =	shalt  }
0x47: {  	_ =	shalt  }
0x48: {  	_ =	shalt  }
0x49: {  	_ =	shalt  }
0x4a: {  	_ =	shalt  }
0x4b: {  	_ =	shalt  }
0x4c: {  	_ =	shalt  }
0x4d: {  	_ =	shalt  }
0x4e: {  	_ =	shalt  }
0x4f: {  	_ =	shalt  }
0x50: {  	_ =	shalt  }
0x51: {  	_ =	shalt  }
0x52: {  	_ =	shalt  }
0x53: {  	_ =	shalt  }
0x54: {  	_ =	shalt  }
0x55: {  	_ =	shalt  }
0x56: {  	_ =	shalt  }
0x57: {  	_ =	shalt  }
0x58: {  	_ =	shalt  }
0x59: {  	_ =	shalt  }
0x5a: {  	_ =	shalt  }
0x5b: {  	_ =	shalt  }
0x5c: {  	_ =	shalt  }
0x5d: {  	_ =	shalt  }
0x5e: {  	_ =	shalt  }
0x5f: {  	_ =	shalt  }
0x60: {  	_ =	shalt  }
0x61: {  	_ =	shalt  }
0x62: {  	_ =	shalt  }
0x63: {  	_ =	shalt  }
0x64: {  	_ =	shalt  }
0x65: {  	_ =	shalt  }
0x66: {  	_ =	shalt  }
0x67: {  	_ =	shalt  }
0x68: {  	_ =	shalt  }
0x69: {  	_ =	shalt  }
0x6a: {  	_ =	shalt  }
0x6b: {  	_ =	shalt  }
0x6c: {  	_ =	shalt  }
0x6d: {  	_ =	shalt  }
0x6e: {  	_ =	shalt  }
0x6f: {  	_ =	shalt  }
0x70: {  	_ =	shalt  }
0x71: {  	_ =	shalt  }
0x72: {  	_ =	shalt  }
0x73: {  	_ =	shalt  }
0x74: {  	_ =	shalt  }
0x75: {  	_ =	shalt  }
0x76: {  	_ =	shalt  }
0x77: {  	_ =	shalt  }
0x78: {  	_ =	shalt  }
0x79: {  	_ =	shalt  }
0x7a: {  	_ =	shalt  }
0x7b: {  	_ =	shalt  }
0x7c: {  	_ =	shalt  }
0x7d: {  	_ =	shalt  }
0x7e: {  	_ =	shalt  }
0x7f: {  	_ =	shalt  }
0x80: {  	_ =	shalt  }
0x81: {  	_ =	shalt  }
0x82: {  	_ =	shalt  }
0x83: {  	_ =	shalt  }
0x84: {  	_ =	shalt  }
0x85: {  	_ =	shalt  }
0x86: {  	_ =	shalt  }
0x87: {  	_ =	shalt  }
.Lfunc_end0:
.L_simem_size_0:
called_computation_lowered:
.L_overlay_start_0:
0x88: {  	s2 =	sld [smem:$0x3FD9]  }
0x89: {  	s3 =	sld [smem:$0x3FFE];
	_ =	sdelay $0x1  }
0x8a: {  	s1 =	srdreg.scid  }
0x8b: {  	s0 =	sand.u32 $0x1, s1  }
0x8c: {  	s17 =	sshll.u32 s0, $0xA;
	s2 =	sadd.s32 s3, s2  }
0x8d: {  	s2 =	sadd.s32 s2, s17  }
0x8e: {  	[smem:$0x3FC7] =	sst s2  }
0x8f: {  	_ = 	snop  }
0x90: {  	s2 =	sld [smem:$0x3FD0];
	(tm) =	ssettm $0x1  }
0x91: {  	s18 =	sld [smem:$0x3FFB];
	_ =	sdelay $0x3  }
0x92: {  	_ =	strace s18  }
0x93: {  	s3 =	sld [smem:$0x3FFC];
	_ =	sdelay $0x3  }
0x94: {  	_ =	strace s3  }
0x95: {  	s3 =	sld [smem:$0x3FFD];
	_ =	sdelay $0x3  }
0x96: {  	_ =	strace s3  }
0x97: {  	_ =	strace $0x8FFFFFFF  }
0x98: {  	s19 =	sld [smem:$0x3FDB];
	_ =	sdelay $0x1  }
0x99: {  	s4 =	simm.s32 $_scs_section_size  }
0x9a: {  	s5 =	simm.s32 $_size__tile_overlayer_lowered;
	s6 =	simm.s32 $_tile_overlayer_lowered  }
0x9b: {  	s22 =	simm.s32 $0x1BFF;
	s21 =	sshll.u32 s6, $0x1;
	s3 =	sadd.s32 s4, s19  }
0x9c: {  	s7 =	simm.s32 $0x0;
	s20 =	sshll.u32 s5, $0x1;
	s5 =	sadd.s32 s21, s3  }
0x9d: {  	[timem:s7], [sflag:s22] =	dma.local [hbm:s5], s20  }
0x9e: {  	_ =	swait.ge [sflag:s22], s20  }
0x9f: {  	s4 =	ssub.s32 $0x0, s20;
	[sflag:s22] =	ssyncset.done $0x0  }
0xa0: {  	[sflag:s22] =	ssyncadd.s32 s4;
	_ =	sdelay $0x1  }
0xa1: {  	s23 =	simm.s32 $0x1B8B  }
0xa2: {  	_ =	swait.ge [sflag:s23], $0x1  }
0xa3: {  	[sflag:s23] =	ssyncset.done $0x0  }
0xa4: {  	s25 =	simm.s32 $0x1B8E;
	s24 =	sld [smem:$0x3FFE];
	[sflag:s23] =	ssyncadd.s32 $0xFFFFFFFF  }
0xa5: {  	s26 =	simm.s32 $execute0_lowered;
	[smem:$0x3FD2] =	sst s25  }
0xa6: {  	s5 =	sshll.u32 s26, $0x1;
	_ =	strace $0x80000046;
	[dreg:$0x1] =	wrdreg $0xFFFFFFFF  }
0xa7: {  	s28 =	simm.s32 $_size_execute0_lowered;
	s3 =	sadd.s32 s3, s5;
	[dreg:$0x0] =	wrdreg $0x0  }
0xa8: {  	s5 =	sshll.u32 s28, $0x1;
	[dreg:$0x2] =	wrdreg s3  }
0xa9: {  	[dreg:$0x3] =	wrdreg s5  }
0xaa: {  	[dreg:$0x4] =	wrdreg $0xC0  }
0xab: {  	_ =	task [dreg:s7], $0x5FFFF  }
0xac: {  	[dreg:$0x1] =	wrdreg $0xFFFFFFFF  }
0xad: {  	[dreg:$0x0] =	wrdreg $0x60  }
0xae: {  	[dreg:$0x2] =	wrdreg s24  }
0xaf: {  	[dreg:$0x3] =	wrdreg s2  }
0xb0: {  	[dreg:$0x4] =	wrdreg $0x9  }
0xb1: {  	_ =	task.clear_ibuf [dreg:s7], $0x5FFFF;
	_ =	strace $0x90000046  }
0xb2: {  	s29 =	simm.s32 $0x9;
	_ =	strace $0x80000048  }
0xb3: {  	_ =	swait.ge [sflag:s29], $0x1  }
0xb4: {  	[sflag:s29] =	ssyncadd.s32 $0xFFFFFFFF  }
0xb5: {  	_ =	strace $0x90000048  }
0xb6: {  	_ =	sfence  }
0xb7: {  	s30 =	sld [smem:$0x0];
	_ =	sdelay $0x2  }
0xb8: {  	s31 =	sshll.u32 s1, $0xD;
	s1 =	sshrl.u32 s1, $0x2  }
0xb9: {  	s3 =	sand.u32 $0x4000, s31;
	s1 =	sadd.s32 s1, s30  }
0xba: {  	s0 =	sor.u32 s3, s0;
	s1 =	sshll.u32 s1, $0x11  }
0xbb: {  	s0 =	sor.u32 s1, s0  }
0xbc: {  	s0 =	sadd.s32 $0x8F2B, s0  }
0xbd: {  	[sflag:s0] =	ssyncadd.remote.s32 $0x1  }
0xbe: {  	_ =	sfence.sel $0xFFFF  }
0xbf: {  	[dreg:$0x0] =	wrdreg $0xFFFFFFFF;
	(pc) =	sbr.abs _section_cstart, $3  }
0xc0: {  	[dreg:$0x1] =	wrdreg $0xFFFFFFFF  }
0xc1: {  	_ =	task.clear_ibuf [dreg:s7], $0x2FFFF;
	_ =	strace $0x9FFFFFFF  }
0xc2: {  	(tm) =	ssettm $0x7FFFFFFF  }
0xc3: {  	_ =	shalt  }
tec
execute0_lowered:
.L_overlay_start_1:
0x0: {  	(tag) =	ssettag $0x1  }
0x1: {  	s3 =	rddreg [dreg:$0x0]  }
0x2: {  	s4 =	rddreg [dreg:$0x1]  }
0x3: {  	v0 =	vlaneseq.u32;
	s0 =	rddreg [dreg:$0x2];
	s1 =	srdreg.scid  }
0x4: {  	s2 =	simm.s32 $0x0;
	v2 =	vimm.f32 $0.0e+00;
	s9 =	simm.s32 $0x8000;
	s10 =	simm.s32 $0x1;
	v1 =	vmul.u32 $0x81, v0;
	v3 =	vor.u32 $0x40, v0  }
0x5: {  	s11 =	simm.s32 $0x0;
	s5 =	sand.u32 $0x1, s1;
	s1 =	stileid.u32;
	v5 =	vor.u32 $0x10, v0;
	v7 =	vor.u32 $0x50, v0;
	v13 =	vor.u32 $0x20, v0  }
0x6: {  	[smem:$0x7FF] =	sst s2;
	v15 =	vor.u32 $0x60, v0;
	v17 =	vor.u32 $0x30, v0;
	v19 =	vor.u32 $0x70, v0;
	s6 =	sshll.u32 s5, $0x4;
	s7 =	sshll.u32 s1, $0x1  }
0x7: {  	s30 =	ssub.s32 $0x2, s5;
	s8 =	sshll.u32 s1, $0x5;
	_ =	strace $0x80000047;
	v4 =	vadd.s32 $0x20, v1;
	v6 =	vadd.s32 $0x810, v1;
	v8 =	vadd.s32 $0x830, v1  }
0x8: {  	s3 =	sadd.s32 s6, s3;
	s5 =	sor.u32 s5, s7;
	v9 =	vadd.s32 $0x1020, v1;
	s31 =	sshrl.u32 s30, $0x1;
	v10 =	vor.u32 $0x1000, v1;
	v11 =	vadd.s32 $0x1830, v1  }
0x9: {  	v12 =	vadd.s32 $0x1810, v1;
	v14 =	vadd.s32 $0x2040, v1;
	v16 =	vadd.s32 $0x2060, v1;
	s7 =	simm.s32 $0x80;
	s5 =	smul.u32 $0x10080, s5;
	s3 =	sadd.s32 s8, s3  }
0xa: {  	v18 =	vadd.s32 $0x2850, v1;
	v20 =	vadd.s32 $0x2870, v1;
	v21 =	vadd.s32 $0x3060, v1;
	s6 =	ssub.s32 s30, s31;
	s8 =	simm.s32 $0x400;
	s3 =	sadd.s32 $0xA00, s3  }
0xb: {  	v22 =	vadd.s32 $0x3040, v1;
	v23 =	vadd.s32 $0x3870, v1;
	v24 =	vadd.s32 $0x3850, v1;
	s4 =	sadd.s32 s4, s5;
	s5 =	smax.u32 s6, $0x1;
	s6 =	simm.s32 $0x2  }
.LBB2_1:
0xc: {  	[tilespmem:s2], [sflag:$0x2] =	stream.linear.gather [hbm4b:s3+s2], $0x80, $0x38;
	[tilespmem:$0x4080] =	vst v63  }
0xd: {  	_ =	swait.ge [sflag:s6], $0x80  }
0xe: {  	[sflag:s6] =	ssyncset.done $0x0  }
0xf: {  	s12 =	simm.s32 $0x0;
	s13 =	simm.s32 $0x200;
	[sflag:s6] =	ssyncadd.s32 $0xFFFFFF80  }
.LBB2_2:
0x10: {  	p0 =	sne.s32 s13, $0xFE00;
	[tilespmem:s12+$0xF0] =	vst v2  }
0x11: {  	[tilespmem:s12+$0x80] =	vst v2  }
0x12: {  	[tilespmem:s12+$0x90] =	vst v2  }
.Ltmp0:
0x13: {  	[tilespmem:s12+$0xA0] =	vst v2;
	(pc) =	sbr.rel @p0 .LBB2_2-.Ltmp0, $4  }
0x14: {  	[tilespmem:s12+$0xB0] =	vst v2  }
0x15: {  	[tilespmem:s12+$0xC0] =	vst v2  }
0x16: {  	[tilespmem:s12+$0xD0] =	vst v2  }
0x17: {  	[tilespmem:s12+$0xE0] =	vst v2;
	s12 =	sshra.s32 s13, $0x2;
	s13 =	sadd.s32 $0x200, s13  }
0x18: {  	[tilespmem:s12+$0xF0] =	vst v2  }
0x19: {  	[tilespmem:s12+$0x80] =	vst v2  }
0x1a: {  	[tilespmem:s12+$0x90] =	vst v2  }
0x1b: {  	[tilespmem:s12+$0xA0] =	vst v2  }
0x1c: {  	[tilespmem:s12+$0xB0] =	vst v2  }
0x1d: {  	[tilespmem:s12+$0xC0] =	vst v2  }
0x1e: {  	[tilespmem:s12+$0xD0] =	vst v2  }
0x1f: {  	[tilespmem:s12+$0xE0] =	vst v2  }
0x20: {  	v25 =	vld.idx.msk [tilespmem:v0+s2+$0x0], $0xffff;
	_ =	sdelay $0x4  }
0x21: {  	[tilespmem:v1+s7+$0x0] =	vst.idx.msk $0xffff, v25  }
0x22: {  	v25 =	vld.idx.msk [tilespmem:v3+s2+$0x0], $0xffff;
	_ =	sdelay $0x4  }
0x23: {  	v25 =	vxor.u32 $0x80000000, v25  }
0x24: {  	[tilespmem:v4+s7+$0x0] =	vst.idx.msk $0xffff, v25  }
0x25: {  	v25 =	vld.idx.msk [tilespmem:v5+s2+$0x0], $0xffff;
	_ =	sdelay $0x4  }
0x26: {  	[tilespmem:v6+s7+$0x0] =	vst.idx.msk $0xffff, v25  }
0x27: {  	v25 =	vld.idx.msk [tilespmem:v7+s2+$0x0], $0xffff;
	_ =	sdelay $0x4  }
0x28: {  	v25 =	vxor.u32 $0x80000000, v25  }
0x29: {  	[tilespmem:v8+s7+$0x0] =	vst.idx.msk $0xffff, v25  }
0x2a: {  	v25 =	vld.idx.msk [tilespmem:v0+s2+$0x0], $0xffff;
	_ =	sdelay $0x4  }
0x2b: {  	[tilespmem:v9+s7+$0x0] =	vst.idx.msk $0xffff, v25  }
0x2c: {  	v25 =	vld.idx.msk [tilespmem:v3+s2+$0x0], $0xffff;
	_ =	sdelay $0x4  }
0x2d: {  	[tilespmem:v10+s7+$0x0] =	vst.idx.msk $0xffff, v25  }
0x2e: {  	v25 =	vld.idx.msk [tilespmem:v5+s2+$0x0], $0xffff;
	_ =	sdelay $0x4  }
0x2f: {  	[tilespmem:v11+s7+$0x0] =	vst.idx.msk $0xffff, v25  }
0x30: {  	v25 =	vld.idx.msk [tilespmem:v7+s2+$0x0], $0xffff;
	_ =	sdelay $0x4  }
0x31: {  	[tilespmem:v12+s7+$0x0] =	vst.idx.msk $0xffff, v25  }
0x32: {  	v25 =	vld.idx.msk [tilespmem:v13+s2+$0x0], $0xffff;
	_ =	sdelay $0x4  }
0x33: {  	[tilespmem:v14+s7+$0x0] =	vst.idx.msk $0xffff, v25  }
0x34: {  	v25 =	vld.idx.msk [tilespmem:v15+s2+$0x0], $0xffff;
	_ =	sdelay $0x4  }
0x35: {  	v25 =	vxor.u32 $0x80000000, v25  }
0x36: {  	[tilespmem:v16+s7+$0x0] =	vst.idx.msk $0xffff, v25  }
0x37: {  	v25 =	vld.idx.msk [tilespmem:v17+s2+$0x0], $0xffff;
	_ =	sdelay $0x4  }
0x38: {  	[tilespmem:v18+s7+$0x0] =	vst.idx.msk $0xffff, v25  }
0x39: {  	v25 =	vld.idx.msk [tilespmem:v19+s2+$0x0], $0xffff;
	_ =	sdelay $0x4  }
0x3a: {  	v25 =	vxor.u32 $0x80000000, v25  }
0x3b: {  	[tilespmem:v20+s7+$0x0] =	vst.idx.msk $0xffff, v25  }
0x3c: {  	v25 =	vld.idx.msk [tilespmem:v13+s2+$0x0], $0xffff;
	_ =	sdelay $0x4  }
0x3d: {  	[tilespmem:v21+s7+$0x0] =	vst.idx.msk $0xffff, v25  }
0x3e: {  	v25 =	vld.idx.msk [tilespmem:v15+s2+$0x0], $0xffff;
	_ =	sdelay $0x4  }
0x3f: {  	[tilespmem:v22+s7+$0x0] =	vst.idx.msk $0xffff, v25  }
0x40: {  	v25 =	vld.idx.msk [tilespmem:v17+s2+$0x0], $0xffff;
	_ =	sdelay $0x4  }
0x41: {  	[tilespmem:v23+s7+$0x0] =	vst.idx.msk $0xffff, v25  }
0x42: {  	v25 =	vld.idx.msk [tilespmem:v19+s2+$0x0], $0xffff;
	_ =	sdelay $0x2  }
0x43: {  	s11 =	sadd.s32 $0x1, s11  }
0x44: {  	p0 =	sne.s32 s11, s5  }
.Ltmp1:
0x45: {  	[tilespmem:v24+s7+$0x0] =	vst.idx.msk $0xffff, v25;
	(pc) =	sbr.rel @p0 .LBB2_1-.Ltmp1, $4  }
0x46: {  	[hbm4b:s4+s8] =	stream.strided.scatter [tilespmem:s7], [sflag:$0x1], $0x4000, s9, s8, $0x38;
	[tilespmem:$0x4080] =	vst v63  }
0x47: {  	_ =	swait.ge [sflag:s10], $0x4000  }
0x48: {  	[sflag:s10] =	ssyncset.done $0x0  }
0x49: {  	[sflag:s10] =	ssyncadd.s32 $0xFFFFC000  }
0x4a: {  	_ =	sfence.sel $0x180000  }
0x4b: {  	[bflag:$0x0] =	sbarrier.arrive $0xFFFF  }
0x4c: {  	p0 =	sne.s32 s1, $0x0;
	_ =	strace $0x90000047  }
0x4d: {  	s0 =	sadd.s32 @!p0 $0x100000, s0;
	[bflag:$0x2] =	sbarrier.arrive $0xFFFF  }
0x4e: {  	[sflag:s0] =	ssyncadd.tile.s32 @!p0 $0x1;
	_ =	shalt  }
.Lfunc_end2:
_tile_overlayer_lowered:
.L_overlay_start_2:
0x4f: {  	(tag) =	ssettag $0x2  }
0x50: {  	s0 =	rddreg [dreg:$0x0];
	s2 =	stileid.u32  }
0x51: {  	s1 =	rddreg [dreg:$0x1];
	p0 =	sne.s32 s2, $0x0  }
0x52: {  	s3 =	rddreg [dreg:$0x2];
	[bflag:$0x3] =	sbarrier.arrive $0xFFFF;
	s2 =	simm.s32 @!p0 $0x1C02  }
0x53: {  	[timem:s3], [sflag:s2] =	dma.local @!p0 [hbm:s0], s1  }
0x54: {  	s0 =	simm.s32 @!p0 $0x2  }
0x55: {  	_ =	swait.ge @!p0 [sflag:s0], s1  }
0x56: {  	s1 =	ssub.s32 @!p0 $0x0, s1;
	[sflag:s0] =	ssyncset.done @!p0 $0x0  }
0x57: {  	[sflag:s0] =	ssyncadd.s32 @!p0 s1  }
0x58: {  	[bflag:$0x3] =	sbarrier.arrive $0xFFFF  }
0x59: {  	_ =	shalt  }

</sc_bundles>
